<compile_context>
chip_gen: v7x
topology: tpu7x:2x2x1
jax: 0.10.2.dev20260603
libtpu: 0.0.44.dev20260713+nightly
codegen_flags: <defaults>
</compile_context>

<pallas_src>
import dataclasses
import functools
import math

import jax
import jax.numpy as jnp
from jax import lax
from jax.experimental import pallas as pl
from jax.experimental.pallas import tpu as pltpu
from jax.experimental.pallas import tpu_sc as plsc

_SIZE = 100000
_PAD = 0
_SMOOTHING = 0.1
_CONF = 1.0 - _SMOOTHING
_EPS = _SMOOTHING / (_SIZE - 2)
_C = (_SIZE - 2) * _EPS * math.log(_EPS) + _CONF * math.log(_CONF)

_N = 1024
_RB = 32
_NSTREAM = 4
_WAVE = 64


def _sc_gather(target, x):
    mesh = plsc.ScalarSubcoreMesh(axis_name="c", num_cores=2)
    half = _N // 2

    @functools.partial(
        pl.kernel,
        out_type=jax.ShapeDtypeStruct((_N,), jnp.float32),
        mesh=mesh,
        scratch_types=[
            pltpu.SMEM((half,), jnp.int32),
            pltpu.SMEM((_WAVE * 128,), jnp.float32),
            pltpu.SMEM((half,), jnp.float32),
            pltpu.SemaphoreType.DMA,
            pltpu.SemaphoreType.DMA,
        ],
    )
    def gather_kernel(t_hbm, x_hbm, out_hbm, idx_s, chunk_s, sel_s, sem,
                      gsem):
        cid = lax.axis_index("c")
        base = cid * half
        pltpu.async_copy(t_hbm.at[pl.ds(base, half)], idx_s, sem).wait()

        @pl.loop(0, half, step=_WAVE)
        def _(w):
            @pl.loop(0, _WAVE)
            def _(j):
                i = w + j
                t_al = pl.multiple_of((idx_s[i] >> 7) << 7, 128)
                pltpu.async_copy(
                    x_hbm.at[base + i].at[pl.ds(t_al, 128)],
                    chunk_s.at[pl.ds(j * 128, 128)], gsem)

            pltpu.make_async_copy(
                x_hbm.at[0].at[pl.ds(0, _WAVE * 128)], chunk_s, gsem).wait()

            @pl.loop(0, _WAVE)
            def _(j):
                i = w + j
                t = idx_s[i]
                sel_s[i] = chunk_s[j * 128 + (t & 127)]

        pltpu.async_copy(sel_s, out_hbm.at[pl.ds(base, half)], sem).wait()

    return gather_kernel(target, x)


def _rowsum_body(*refs):
    x_refs, (s_ref, x0_ref) = refs[:_NSTREAM], refs[_NSTREAM:]
    xs = [r[...] for r in x_refs]
    s_ref[...] = jnp.concatenate(
        [jnp.sum(xb, axis=1, keepdims=True) for xb in xs], axis=0)
    x0_ref[...] = jnp.concatenate([xb[:, 0:1] for xb in xs], axis=0)


def _tc_rowsum(x):
    stripe = _RB // _NSTREAM
    return pl.pallas_call(
        _rowsum_body,
        grid=(_N // _RB,),
        in_specs=[
            pl.BlockSpec((stripe, _SIZE),
                         lambda i, k=k: (i * _NSTREAM + k, 0))
            for k in range(_NSTREAM)
        ],
        out_specs=[
            pl.BlockSpec((_RB, 1), lambda i: (i, 0)),
            pl.BlockSpec((_RB, 1), lambda i: (i, 0)),
        ],
        out_shape=[
            jax.ShapeDtypeStruct((_N, 1), jnp.float32),
            jax.ShapeDtypeStruct((_N, 1), jnp.float32),
        ],
        compiler_params=pltpu.CompilerParams(
            dimension_semantics=("parallel",)),
    )(*([x] * _NSTREAM))


def _combine_body(s_ref, x0_ref, g_ref, t_ref, out_ref):
    s = s_ref[...]
    g = g_ref[...]
    x0 = x0_ref[...]
    t = t_ref[...]
    row = _C - _EPS * s + _EPS * x0 + (_EPS - _CONF) * g
    row = jnp.where(t != _PAD, row, 0.0)
    out_ref[...] = jnp.sum(row, keepdims=True)


def _tc_combine(s, x0, g2, t2):
    out = pl.pallas_call(
        _combine_body,
        out_shape=jax.ShapeDtypeStruct((1, 1), jnp.float32),
    )(s, x0, g2, t2)
    return out[0, 0]


def kernel(x, target):
    n, size = x.shape
    g = _sc_gather(target, x)
    s, x0 = _tc_rowsum(x)
    return _tc_combine(s, x0, g.reshape(n, 1), target.reshape(n, 1))

# --- scband reference (transcript-rebuilt; emitter-appended) ---
"""Pipeline reference for scband-label-smoothing-24567212933834 (READ-ONLY COPY).

The authoritative reference and input builder live on the scoring server;
editing this copy changes nothing except your own understanding.
"""

import jax, jax.numpy as jnp
import numpy as np

SIZE = 100000
PADDING_IDX = 0
SMOOTHING = 0.1
CONFIDENCE = 1.0 - SMOOTHING


def setup_inputs(seed: int = 0) -> dict:
    key = jax.random.key(seed)
    k1, k2 = jax.random.split(key)
    # x: model log-probabilities over the vocab (randn stands in for log-softmax output)
    x = jax.random.normal(k1, (1024, SIZE), dtype=jnp.float32)
    target = jax.random.randint(k2, (1024,), 0, SIZE, dtype=jnp.int32)
    return {"x": x, "target": target}


def reference(x, target):
    n, size = x.shape
    assert size == SIZE
    # true_dist = smoothing / (size - 2) everywhere
    true_dist = jnp.full((n, size), SMOOTHING / (size - 2), dtype=x.dtype)
    # scatter confidence at target positions (scatter-overwrite)
    rows = jnp.arange(n)
    true_dist = true_dist.at[rows, target].set(CONFIDENCE)
    # zero out the padding column
    true_dist = true_dist.at[:, PADDING_IDX].set(0.0)
    # zero out rows whose target is padding_idx (index_fill_ over masked rows)
    pad_mask = (target == PADDING_IDX)
    true_dist = jnp.where(pad_mask[:, None], 0.0, true_dist)
    # KLDivLoss(size_average=False) == reduction='sum':
    # sum over all elements of target * (log(target) - input), with 0*log(0) := 0
    pointwise = jnp.where(true_dist > 0, true_dist * (jnp.log(jnp.where(true_dist > 0, true_dist, 1.0)) - x), 0.0)
    return jnp.sum(pointwise)

if __name__ == "__main__":
    import jax
    _d = setup_inputs()
    print(jax.jit(kernel)(*tuple(_d.values())))

</pallas_src>

<mosaic_0001>
#map = affine_map<(d0) -> (0)>
#map1 = affine_map<(d0) -> (0, 0)>
module attributes {stable_mosaic.version = 14 : i64} {
  func.func @gather_kernel(%arg0: i32, %arg1: memref<1024xi32, #tpu.memory_space<hbm>>, %arg2: memref<1024x100000xf32, #tpu.memory_space<hbm>>, %arg3: memref<1024xf32, #tpu.memory_space<hbm>>, %arg4: memref<512xi32, #tpu.memory_space<smem>>, %arg5: memref<8192xf32, #tpu.memory_space<smem>>, %arg6: memref<512xf32, #tpu.memory_space<smem>>, %arg7: memref<!tpu.dma_semaphore, #tpu.memory_space<semaphore_mem>>, %arg8: memref<!tpu.dma_semaphore, #tpu.memory_space<semaphore_mem>>) attributes {dimension_semantics = [#tpu.dimension_semantics<core_parallel>], iteration_bounds = array<i64: 2>, scalar_prefetch = 0 : i64, scratch_operands = 5 : i64, tpu.core_type = #tpu.core_type<sc_scalar_subcore>, window_params = [{transform_indices = #map}, {transform_indices = #map1}, {transform_indices = #map}]} {
    %mul3A = arith.constant 512 : i32
    %mul3A_0 = arith.muli %arg0, %mul3A : i32
    %dma_start3A = tpu.memref_slice %arg1[%mul3A_0] : memref<1024xi32, #tpu.memory_space<hbm>> -> memref<512xi32, #tpu.memory_space<hbm>>
    tpu.enqueue_dma source(%dma_start3A : memref<512xi32, #tpu.memory_space<hbm>>) target(%arg4 : memref<512xi32, #tpu.memory_space<smem>>) target_semaphore(%arg7 : memref<!tpu.dma_semaphore, #tpu.memory_space<semaphore_mem>>)
    %dma_wait3A = tpu.memref_slice %arg1[%mul3A_0] : memref<1024xi32, #tpu.memory_space<hbm>> -> memref<512xi32, #tpu.memory_space<hbm>>
    tpu.wait_dma2 semaphore(%arg7 : memref<!tpu.dma_semaphore, #tpu.memory_space<semaphore_mem>>) src(%dma_wait3A : memref<512xi32, #tpu.memory_space<hbm>>) dst(%arg4 : memref<512xi32, #tpu.memory_space<smem>>)
    %scan3A = arith.constant 0 : i32
    %scan3A_1 = arith.constant 8 : i32
    %scan3A_2 = arith.addi %scan3A, %scan3A_1 : i32
    %scan3A_3 = arith.constant 1 : i32
    scf.for %scan3A_7 = %scan3A to %scan3A_2 step %scan3A_3  : i32 {
      %mul3A_8 = arith.constant 64 : i32
      %mul3A_9 = arith.muli %scan3A_7, %mul3A_8 : i32
      %add3A = arith.constant 0 : i32
      %add3A_10 = arith.addi %add3A, %mul3A_9 : i32
      %scan3A_11 = arith.constant 0 : i32
      %scan3A_12 = arith.constant 64 : i32
      %scan3A_13 = arith.addi %scan3A_11, %scan3A_12 : i32
      %scan3A_14 = arith.constant 1 : i32
      scf.for %scan3A_27 = %scan3A_11 to %scan3A_13 step %scan3A_14  : i32 {
        %mul3A_28 = arith.constant 1 : i32
        %mul3A_29 = arith.muli %scan3A_27, %mul3A_28 : i32
        %add3A_30 = arith.constant 0 : i32
        %add3A_31 = arith.addi %add3A_30, %mul3A_29 : i32
        %add3A_32 = arith.addi %add3A_10, %add3A_31 : i32
        %get3A = arith.index_cast %add3A_32 : i32 to index
        %get3A_33 = memref.load %arg4[%get3A] : memref<512xi32, #tpu.memory_space<smem>>
        %shift_right_arithmetic3A = arith.constant 7 : i32
        %shift_right_arithmetic3A_34 = arith.shrsi %get3A_33, %shift_right_arithmetic3A : i32
        %shift_left3A = arith.constant 7 : i32
        %shift_left3A_35 = arith.shli %shift_right_arithmetic3A_34, %shift_left3A : i32
        %multiple_of3A = tpu.assume_multiple %shift_left3A_35, 128 : i32
        %add3A_36 = arith.addi %mul3A_0, %add3A_32 : i32
        %mul3A_37 = arith.constant 128 : i32
        %mul3A_38 = arith.muli %add3A_31, %mul3A_37 : i32
        %dma_start3A_39 = tpu.memref_slice %arg5[%mul3A_38] : memref<8192xf32, #tpu.memory_space<smem>> -> memref<128xf32, #tpu.memory_space<smem>>
        %dma_start3A_40 = arith.constant 0 : i32
        %dma_start3A_41 = tpu.memref_slice %arg2[%add3A_36, %dma_start3A_40] : memref<1024x100000xf32, #tpu.memory_space<hbm>> -> memref<1x100000xf32, #tpu.memory_space<hbm>>
        %dma_start3A_42 = tpu.memref_squeeze %dma_start3A_41 : memref<1x100000xf32, #tpu.memory_space<hbm>> -> memref<100000xf32, #tpu.memory_space<hbm>>
        %dma_start3A_43 = tpu.memref_slice %dma_start3A_42[%multiple_of3A] : memref<100000xf32, #tpu.memory_space<hbm>> -> memref<128xf32, #tpu.memory_space<hbm>>
        tpu.enqueue_dma source(%dma_start3A_43 : memref<128xf32, #tpu.memory_space<hbm>>) target(%dma_start3A_39 : memref<128xf32, #tpu.memory_space<smem>>) target_semaphore(%arg8 : memref<!tpu.dma_semaphore, #tpu.memory_space<semaphore_mem>>)
      }
      %scan3A_15 = arith.constant 64 : i32
      %dma_wait3A_16 = arith.constant 0 : i32
      %dma_wait3A_17 = arith.constant 0 : i32
      %dma_wait3A_18 = tpu.memref_slice %arg2[%dma_wait3A_16, %dma_wait3A_17] : memref<1024x100000xf32, #tpu.memory_space<hbm>> -> memref<1x100000xf32, #tpu.memory_space<hbm>>
      %dma_wait3A_19 = tpu.memref_squeeze %dma_wait3A_18 : memref<1x100000xf32, #tpu.memory_space<hbm>> -> memref<100000xf32, #tpu.memory_space<hbm>>
      %dma_wait3A_20 = arith.constant 0 : i32
      %dma_wait3A_21 = tpu.memref_slice %dma_wait3A_19[%dma_wait3A_20] : memref<100000xf32, #tpu.memory_space<hbm>> -> memref<8192xf32, #tpu.memory_space<hbm>>
      tpu.wait_dma2 semaphore(%arg8 : memref<!tpu.dma_semaphore, #tpu.memory_space<semaphore_mem>>) src(%dma_wait3A_21 : memref<8192xf32, #tpu.memory_space<hbm>>) dst(%arg5 : memref<8192xf32, #tpu.memory_space<smem>>)
      %scan3A_22 = arith.constant 0 : i32
      %scan3A_23 = arith.constant 64 : i32
      %scan3A_24 = arith.addi %scan3A_22, %scan3A_23 : i32
      %scan3A_25 = arith.constant 1 : i32
      scf.for %scan3A_27 = %scan3A_22 to %scan3A_24 step %scan3A_25  : i32 {
        %mul3A_28 = arith.constant 1 : i32
        %mul3A_29 = arith.muli %scan3A_27, %mul3A_28 : i32
        %add3A_30 = arith.constant 0 : i32
        %add3A_31 = arith.addi %add3A_30, %mul3A_29 : i32
        %add3A_32 = arith.addi %add3A_10, %add3A_31 : i32
        %get3A = arith.index_cast %add3A_32 : i32 to index
        %get3A_33 = memref.load %arg4[%get3A] : memref<512xi32, #tpu.memory_space<smem>>
        %mul3A_34 = arith.constant 128 : i32
        %mul3A_35 = arith.muli %add3A_31, %mul3A_34 : i32
        %and3A = arith.constant 127 : i32
        %and3A_36 = arith.andi %get3A_33, %and3A : i32
        %add3A_37 = arith.addi %mul3A_35, %and3A_36 : i32
        %get3A_38 = arith.index_cast %add3A_37 : i32 to index
        %get3A_39 = memref.load %arg5[%get3A_38] : memref<8192xf32, #tpu.memory_space<smem>>
        %swap3A = arith.index_cast %add3A_32 : i32 to index
        %swap3A_40 = memref.load %arg6[%swap3A] : memref<512xf32, #tpu.memory_space<smem>>
        memref.store %get3A_39, %arg6[%swap3A] : memref<512xf32, #tpu.memory_space<smem>>
      }
      %scan3A_26 = arith.constant 64 : i32
    }
    %scan3A_4 = arith.constant 8 : i32
    %dma_start3A_5 = tpu.memref_slice %arg3[%mul3A_0] : memref<1024xf32, #tpu.memory_space<hbm>> -> memref<512xf32, #tpu.memory_space<hbm>>
    tpu.enqueue_dma source(%arg6 : memref<512xf32, #tpu.memory_space<smem>>) target(%dma_start3A_5 : memref<512xf32, #tpu.memory_space<hbm>>) target_semaphore(%arg7 : memref<!tpu.dma_semaphore, #tpu.memory_space<semaphore_mem>>)
    %dma_wait3A_6 = tpu.memref_slice %arg3[%mul3A_0] : memref<1024xf32, #tpu.memory_space<hbm>> -> memref<512xf32, #tpu.memory_space<hbm>>
    tpu.wait_dma2 semaphore(%arg7 : memref<!tpu.dma_semaphore, #tpu.memory_space<semaphore_mem>>) src(%arg6 : memref<512xf32, #tpu.memory_space<smem>>) dst(%dma_wait3A_6 : memref<512xf32, #tpu.memory_space<hbm>>)
    return
  }
}

module attributes {stable_mosaic.version = 14 : i64} {
  func.func @_rowsum_body(%arg0: i32, %arg1: memref<8x100000xf32, #tpu.memory_space<vmem>>, %arg2: memref<8x100000xf32, #tpu.memory_space<vmem>>, %arg3: memref<8x100000xf32, #tpu.memory_space<vmem>>, %arg4: memref<8x100000xf32, #tpu.memory_space<vmem>>, %arg5: memref<32x1xf32, #tpu.memory_space<vmem>>, %arg6: memref<32x1xf32, #tpu.memory_space<vmem>>) attributes {dimension_semantics = [#tpu.dimension_semantics<parallel>], iteration_bounds = array<i64: 32>, scalar_prefetch = 0 : i64, scratch_operands = 0 : i64, tpu.core_type = #tpu.core_type<tc>, window_params = [{transform_indices = @transform_0, window_bounds = array<i64: 8, 100000>}, {transform_indices = @transform_1, window_bounds = array<i64: 8, 100000>}, {transform_indices = @transform_2, window_bounds = array<i64: 8, 100000>}, {transform_indices = @transform_3, window_bounds = array<i64: 8, 100000>}, {transform_indices = @transform_4, window_bounds = array<i64: 32, 1>}, {transform_indices = @transform_5, window_bounds = array<i64: 32, 1>}]} {
    %get3A = arith.constant 0 : index
    %get3A_0 = arith.constant 0 : index
    %get3A_1 = vector.load %arg1[%get3A, %get3A_0] : memref<8x100000xf32, #tpu.memory_space<vmem>>, vector<8x100000xf32>
    %get3A_2 = arith.constant 0 : index
    %get3A_3 = arith.constant 0 : index
    %get3A_4 = vector.load %arg2[%get3A_2, %get3A_3] : memref<8x100000xf32, #tpu.memory_space<vmem>>, vector<8x100000xf32>
    %get3A_5 = arith.constant 0 : index
    %get3A_6 = arith.constant 0 : index
    %get3A_7 = vector.load %arg3[%get3A_5, %get3A_6] : memref<8x100000xf32, #tpu.memory_space<vmem>>, vector<8x100000xf32>
    %get3A_8 = arith.constant 0 : index
    %get3A_9 = arith.constant 0 : index
    %get3A_10 = vector.load %arg4[%get3A_8, %get3A_9] : memref<8x100000xf32, #tpu.memory_space<vmem>>, vector<8x100000xf32>
    %reduce_sum3A = arith.constant dense<0.000000e+00> : vector<8xf32>
    %reduce_sum3A_11 = vector.multi_reduction <add>, %get3A_1, %reduce_sum3A [1] : vector<8x100000xf32> to vector<8xf32>
    %broadcast_in_dim3A = vector.shape_cast %reduce_sum3A_11 : vector<8xf32> to vector<8x1xf32>
    %reduce_sum3A_12 = arith.constant dense<0.000000e+00> : vector<8xf32>
    %reduce_sum3A_13 = vector.multi_reduction <add>, %get3A_4, %reduce_sum3A_12 [1] : vector<8x100000xf32> to vector<8xf32>
    %broadcast_in_dim3A_14 = vector.shape_cast %reduce_sum3A_13 : vector<8xf32> to vector<8x1xf32>
    %reduce_sum3A_15 = arith.constant dense<0.000000e+00> : vector<8xf32>
    %reduce_sum3A_16 = vector.multi_reduction <add>, %get3A_7, %reduce_sum3A_15 [1] : vector<8x100000xf32> to vector<8xf32>
    %broadcast_in_dim3A_17 = vector.shape_cast %reduce_sum3A_16 : vector<8xf32> to vector<8x1xf32>
    %reduce_sum3A_18 = arith.constant dense<0.000000e+00> : vector<8xf32>
    %reduce_sum3A_19 = vector.multi_reduction <add>, %get3A_10, %reduce_sum3A_18 [1] : vector<8x100000xf32> to vector<8xf32>
    %broadcast_in_dim3A_20 = vector.shape_cast %reduce_sum3A_19 : vector<8xf32> to vector<8x1xf32>
    %concatenate3A = tpu.concatenate %broadcast_in_dim3A, %broadcast_in_dim3A_14, %broadcast_in_dim3A_17, %broadcast_in_dim3A_20 in 0 : vector<8x1xf32>, vector<8x1xf32>, vector<8x1xf32>, vector<8x1xf32> -> vector<32x1xf32>
    %swap3A = arith.constant 0 : index
    %swap3A_21 = arith.constant 0 : index
    %swap3A_22 = vector.load %arg5[%swap3A, %swap3A_21] : memref<32x1xf32, #tpu.memory_space<vmem>>, vector<32x1xf32>
    tpu.vector_store %arg5[%swap3A, %swap3A_21], %concatenate3A {strides = array<i32>} : memref<32x1xf32, #tpu.memory_space<vmem>>, vector<32x1xf32>,
    %slice3A = vector.extract_strided_slice %get3A_1 {offsets = [0, 0], sizes = [8, 1], strides = [1, 1]} : vector<8x100000xf32> to vector<8x1xf32>
    %slice3A_23 = vector.extract_strided_slice %get3A_4 {offsets = [0, 0], sizes = [8, 1], strides = [1, 1]} : vector<8x100000xf32> to vector<8x1xf32>
    %slice3A_24 = vector.extract_strided_slice %get3A_7 {offsets = [0, 0], sizes = [8, 1], strides = [1, 1]} : vector<8x100000xf32> to vector<8x1xf32>
    %slice3A_25 = vector.extract_strided_slice %get3A_10 {offsets = [0, 0], sizes = [8, 1], strides = [1, 1]} : vector<8x100000xf32> to vector<8x1xf32>
    %concatenate3A_26 = tpu.concatenate %slice3A, %slice3A_23, %slice3A_24, %slice3A_25 in 0 : vector<8x1xf32>, vector<8x1xf32>, vector<8x1xf32>, vector<8x1xf32> -> vector<32x1xf32>
    %swap3A_27 = arith.constant 0 : index
    %swap3A_28 = arith.constant 0 : index
    %swap3A_29 = vector.load %arg6[%swap3A_27, %swap3A_28] : memref<32x1xf32, #tpu.memory_space<vmem>>, vector<32x1xf32>
    tpu.vector_store %arg6[%swap3A_27, %swap3A_28], %concatenate3A_26 {strides = array<i32>} : memref<32x1xf32, #tpu.memory_space<vmem>>, vector<32x1xf32>,
    return
  }
  func.func @transform_0(%arg0: i32) -> (i32, i32) {
    %mul3A = arith.constant 4 : i32
    %mul3A_0 = arith.muli %arg0, %mul3A : i32
    %add3A = arith.constant 0 : i32
    %add3A_1 = arith.addi %mul3A_0, %add3A : i32
    %c0_i32 = arith.constant 0 : i32
    %c0_i32_2 = arith.constant 0 : i32
    return %add3A_1, %c0_i32 : i32, i32
  }
  func.func @transform_1(%arg0: i32) -> (i32, i32) {
    %mul3A = arith.constant 4 : i32
    %mul3A_0 = arith.muli %arg0, %mul3A : i32
    %add3A = arith.constant 1 : i32
    %add3A_1 = arith.addi %mul3A_0, %add3A : i32
    %c0_i32 = arith.constant 0 : i32
    %c0_i32_2 = arith.constant 0 : i32
    return %add3A_1, %c0_i32 : i32, i32
  }
  func.func @transform_2(%arg0: i32) -> (i32, i32) {
    %mul3A = arith.constant 4 : i32
    %mul3A_0 = arith.muli %arg0, %mul3A : i32
    %add3A = arith.constant 2 : i32
    %add3A_1 = arith.addi %mul3A_0, %add3A : i32
    %c0_i32 = arith.constant 0 : i32
    %c0_i32_2 = arith.constant 0 : i32
    return %add3A_1, %c0_i32 : i32, i32
  }
  func.func @transform_3(%arg0: i32) -> (i32, i32) {
    %mul3A = arith.constant 4 : i32
    %mul3A_0 = arith.muli %arg0, %mul3A : i32
    %add3A = arith.constant 3 : i32
    %add3A_1 = arith.addi %mul3A_0, %add3A : i32
    %c0_i32 = arith.constant 0 : i32
    %c0_i32_2 = arith.constant 0 : i32
    return %add3A_1, %c0_i32 : i32, i32
  }
  func.func @transform_4(%arg0: i32) -> (i32, i32) {
    %c0_i32 = arith.constant 0 : i32
    %c0_i32_0 = arith.constant 0 : i32
    return %arg0, %c0_i32 : i32, i32
  }
  func.func @transform_5(%arg0: i32) -> (i32, i32) {
    %c0_i32 = arith.constant 0 : i32
    %c0_i32_0 = arith.constant 0 : i32
    return %arg0, %c0_i32 : i32, i32
  }
}

module attributes {stable_mosaic.version = 14 : i64} {
  func.func @_combine_body(%arg0: memref<1024x1xf32, #tpu.memory_space<vmem>>, %arg1: memref<1024x1xf32, #tpu.memory_space<vmem>>, %arg2: memref<1024x1xf32, #tpu.memory_space<vmem>>, %arg3: memref<1024x1xi32, #tpu.memory_space<vmem>>, %arg4: memref<1x1xf32, #tpu.memory_space<vmem>>) attributes {dimension_semantics = [], scalar_prefetch = 0 : i64, scratch_operands = 0 : i64, tpu.core_type = #tpu.core_type<tc>} {
    %get3A = arith.constant 0 : index
    %get3A_0 = arith.constant 0 : index
    %get3A_1 = vector.load %arg0[%get3A, %get3A_0] : memref<1024x1xf32, #tpu.memory_space<vmem>>, vector<1024x1xf32>
    %get3A_2 = arith.constant 0 : index
    %get3A_3 = arith.constant 0 : index
    %get3A_4 = vector.load %arg2[%get3A_2, %get3A_3] : memref<1024x1xf32, #tpu.memory_space<vmem>>, vector<1024x1xf32>
    %get3A_5 = arith.constant 0 : index
    %get3A_6 = arith.constant 0 : index
    %get3A_7 = vector.load %arg1[%get3A_5, %get3A_6] : memref<1024x1xf32, #tpu.memory_space<vmem>>, vector<1024x1xf32>
    %get3A_8 = arith.constant 0 : index
    %get3A_9 = arith.constant 0 : index
    %get3A_10 = vector.load %arg3[%get3A_8, %get3A_9] : memref<1024x1xi32, #tpu.memory_space<vmem>>, vector<1024x1xi32>
    %mul3A = arith.constant 1.000020e-06 : f32
    %mul3A_11 = vector.broadcast %mul3A : f32 to vector<1024x1xf32>
    %mul3A_12 = arith.mulf %mul3A_11, %get3A_1 : vector<1024x1xf32>
    %sub3A = arith.constant -1.47637355 : f32
    %sub3A_13 = vector.broadcast %sub3A : f32 to vector<1024x1xf32>
    %sub3A_14 = arith.subf %sub3A_13, %mul3A_12 : vector<1024x1xf32>
    %mul3A_15 = arith.constant 1.000020e-06 : f32
    %mul3A_16 = vector.broadcast %mul3A_15 : f32 to vector<1024x1xf32>
    %mul3A_17 = arith.mulf %mul3A_16, %get3A_7 : vector<1024x1xf32>
    %add3A = arith.addf %sub3A_14, %mul3A_17 : vector<1024x1xf32>
    %mul3A_18 = arith.constant -8.999990e-01 : f32
    %mul3A_19 = vector.broadcast %mul3A_18 : f32 to vector<1024x1xf32>
    %mul3A_20 = arith.mulf %mul3A_19, %get3A_4 : vector<1024x1xf32>
    %add3A_21 = arith.addf %add3A, %mul3A_20 : vector<1024x1xf32>
    %ne3A = arith.constant 0 : i32
    %ne3A_22 = vector.broadcast %ne3A : i32 to vector<1024x1xi32>
    %ne3A_23 = arith.cmpi ne, %get3A_10, %ne3A_22 : vector<1024x1xi32>
    %jit3A = arith.constant 0.000000e+00 : f32
    %broadcast_in_dim3A = vector.broadcast %jit3A : f32 to vector<1024x1xf32>
    %select_n3A = arith.select %ne3A_23, %add3A_21, %broadcast_in_dim3A : vector<1024x1xi1>, vector<1024x1xf32>
    %reduce_sum3A = vector.shape_cast %select_n3A : vector<1024x1xf32> to vector<1x1024x1xf32>
    %reduce_sum3A_24 = arith.constant dense<0.000000e+00> : vector<1xf32>
    %reduce_sum3A_25 = vector.multi_reduction <add>, %reduce_sum3A, %reduce_sum3A_24 [1, 2] : vector<1x1024x1xf32> to vector<1xf32>
    %reduce_sum3A_26 = vector.shape_cast %reduce_sum3A_25 : vector<1xf32> to vector<1x1x1xf32>
    %reduce_sum3A_27 = vector.extract %reduce_sum3A_26[0, 0, 0] : f32 from vector<1x1x1xf32>
    %broadcast_in_dim3A_28 = vector.broadcast %reduce_sum3A_27 : f32 to vector<1x1xf32>
    %swap3A = arith.constant 0 : index
    %swap3A_29 = arith.constant 0 : index
    %swap3A_30 = vector.load %arg4[%swap3A, %swap3A_29] : memref<1x1xf32, #tpu.memory_space<vmem>>, vector<1x1xf32>
    tpu.vector_store %arg4[%swap3A, %swap3A_29], %broadcast_in_dim3A_28 {strides = array<i32>} : memref<1x1xf32, #tpu.memory_space<vmem>>, vector<1x1xf32>,
    return
  }
}

</mosaic_0001>

<sc_bundles>
// kernel: kernel.5.cloned.1.call-start
scs
__scs_entry_jumppad:
0x0: {  	(pc) =	sbr.rel $0x88, $3  }
0x1: {  	(tag) =	ssettag $0x0;
	lr =	simm.s32 $0x1  }
0x2: {  	[smem:$0x3F9F] =	sst lr;
	_ =	strace $0xD0000000  }
0x3: {  	_ = 	snop  }
0x4: {  	_ = 	snop  }
0x5: {  	_ = 	snop  }
0x6: {  	_ = 	snop  }
0x7: {  	_ = 	snop  }
__scs_overlays_trampoline_lowered:
0x8: {  	[smem:$0x3FAE] =	sst s0  }
0x9: {  	[smem:$0x3FAF] =	sst s1  }
0xa: {  	[smem:$0x3FB0] =	sst s2  }
0xb: {  	[smem:$0x3FB1] =	sst s3  }
0xc: {  	[smem:$0x3FB2] =	sst s4  }
0xd: {  	[smem:$0x3FB3] =	sst s5  }
0xe: {  	[smem:$0x3FB4] =	sst s6  }
0xf: {  	[smem:$0x3FB5] =	sst s7  }
0x10: {  	[smem:$0x3FB6] =	sst s8  }
0x11: {  	[smem:$0x3FB7] =	sst s9;
	s0 =	simm.s32 @!p0 $0x0  }
0x12: {  	s1 =	sld [smem:$0x3F9D];
	s0 =	simm.s32 @p0 $0x1  }
0x13: {  	[smem:$0x3FB8] =	sst s0;
	s0 =	simm.s32 @!p1 $0x0  }
0x14: {  	s2 =	sld [smem:$0x3F9C];
	s0 =	simm.s32 @p1 $0x1  }
0x15: {  	[smem:$0x3FB9] =	sst s0;
	s0 =	simm.s32 @!p2 $0x0  }
0x16: {  	s3 =	sld [smem:$0x3FDB];
	s0 =	simm.s32 @p2 $0x1  }
0x17: {  	s4 =	simm.s32 $0x1BF5;
	[smem:$0x3FBB] =	sst s0  }
0x18: {  	s0 =	sld [smem:$0x3F9E];
	_ =	swait.ge [sflag:s4], $0x0  }
0x19: {  	s7 =	sld [smem:$0x3F9F]  }
0x1a: {  	s8 =	sadd.s32 $0xFFFFE003, lr  }
0x1b: {  	s9 =	sadd.s32 $0xFFFFFEF7, lr;
	s5 =	simm.s32 $0xFFFFFFFF;
	p2 =	slt.u32 s8, $0xFFFFF086  }
0x1c: {  	p1 =	slt.u32 s9, $0xF7A;
	s5 =	simm.s32 @!p2 $0x0  }
0x1d: {  	s5 =	simm.s32 @p1 $0x1;
	p0 =	seq.s32 s7, s2  }
0x1e: {  	s7 =	smul.u32 @!p0 $0xF7A, s2;
	p2 =	seq.s32 @!p0 s5, $0x0  }
0x1f: {  	s9 =	smul.u32 $0xF7A, s1;
	s8 =	simm.s32 @!p0 $0x1BF5;
	p2 =	por !p2, p0  }
0x20: {  	[sflag:s8] =	ssyncset.s32 @!p0 $0xFFFFF086;
	s6 =	sadd.s32 @!p0 s3, s7;
	s7 =	simm.s32 @!p0 $0x108  }
0x21: {  	s3 =	sadd.s32 s3, s9;
	s6 =	sadd.s32 @!p0 $0x88, s6;
	s7 =	simm.s32 @p2 $0x1082  }
0x22: {  	[simem:s7], [sflag:s8] =	dma.local @!p0 [hbm:s6], $0xF7A  }
0x23: {  	s9 =	sor.u32 $0xD0000000, s2;
	s6 =	simm.s32 $0x108;
	_ =	swait.ge @!p0 [sflag:s8], $0x0  }
0x24: {  	s3 =	sadd.s32 $0x88, s3;
	s6 =	simm.s32 @!p1 $0x1082;
	[sflag:s4] =	ssyncset.s32 $0xFFFFF086  }
0x25: {  	[simem:s6], [sflag:s4] =	dma.local [hbm:s3], $0xF7A  }
0x26: {  	[smem:$0x3F9F] =	sst s1;
	(tag) =	ssettag s2;
	_ =	strace s9  }
0x27: {  	s1 =	sld [smem:$0x3FAF]  }
0x28: {  	s2 =	sld [smem:$0x3FB0]  }
0x29: {  	s4 =	sld [smem:$0x3FB2]  }
0x2a: {  	p0 =	seq.s32 s5, $0x0;
	s5 =	sld [smem:$0x3FB3]  }
0x2b: {  	s6 =	sld [smem:$0x3FB4]  }
0x2c: {  	s7 =	sld [smem:$0x3FB5]  }
0x2d: {  	s3 =	simm.s32 $0x108;
	s8 =	sld [smem:$0x3FB6]  }
0x2e: {  	s3 =	simm.s32 @!p0 $0x1082;
	s9 =	sld [smem:$0x3FB7]  }
0x2f: {  	lr =	sadd.s32 s0, s3;
	s0 =	sld [smem:$0x3FAE]  }
0x30: {  	s3 =	sld [smem:$0x3FB1]  }
0x31: {  	[smem:$0x3FBA] =	sst s10  }
0x32: {  	s10 =	sld [smem:$0x3FB8];
	_ =	sdelay $0x3  }
0x33: {  	p0 =	seq.s32 s10, $0x1;
	s10 =	sld [smem:$0x3FBA];
	_ =	sdelay $0x3  }
0x34: {  	[smem:$0x3FBA] =	sst s10  }
0x35: {  	s10 =	sld [smem:$0x3FB9];
	_ =	sdelay $0x3  }
0x36: {  	p1 =	seq.s32 s10, $0x1;
	s10 =	sld [smem:$0x3FBA];
	_ =	sdelay $0x3  }
0x37: {  	[smem:$0x3FBA] =	sst s10  }
0x38: {  	s10 =	sld [smem:$0x3FBB]  }
0x39: {  	_ = 	snop;
	(pc) =	sbr.ind lr, $3  }
0x3a: {  	_ = 	snop  }
0x3b: {  	_ = 	snop  }
0x3c: {  	p2 =	seq.s32 s10, $0x1;
	s10 =	sld [smem:$0x3FBA]  }
0x3d: {  	_ =	shalt  }
0x3e: {  	_ =	shalt  }
0x3f: {  	_ =	shalt  }
0x40: {  	_ =	shalt  }
0x41: {  	_ =	shalt  }
0x42: {  	_ =	shalt  }
0x43: {  	_ =	shalt  }
0x44: {  	_ =	shalt  }
0x45: {  	_ =	shalt  }
0x46: {  	_ =	shalt  }
0x47: {  	_ =	shalt  }
0x48: {  	_ =	shalt  }
0x49: {  	_ =	shalt  }
0x4a: {  	_ =	shalt  }
0x4b: {  	_ =	shalt  }
0x4c: {  	_ =	shalt  }
0x4d: {  	_ =	shalt  }
0x4e: {  	_ =	shalt  }
0x4f: {  	_ =	shalt  }
0x50: {  	_ =	shalt  }
0x51: {  	_ =	shalt  }
0x52: {  	_ =	shalt  }
0x53: {  	_ =	shalt  }
0x54: {  	_ =	shalt  }
0x55: {  	_ =	shalt  }
0x56: {  	_ =	shalt  }
0x57: {  	_ =	shalt  }
0x58: {  	_ =	shalt  }
0x59: {  	_ =	shalt  }
0x5a: {  	_ =	shalt  }
0x5b: {  	_ =	shalt  }
0x5c: {  	_ =	shalt  }
0x5d: {  	_ =	shalt  }
0x5e: {  	_ =	shalt  }
0x5f: {  	_ =	shalt  }
0x60: {  	_ =	shalt  }
0x61: {  	_ =	shalt  }
0x62: {  	_ =	shalt  }
0x63: {  	_ =	shalt  }
0x64: {  	_ =	shalt  }
0x65: {  	_ =	shalt  }
0x66: {  	_ =	shalt  }
0x67: {  	_ =	shalt  }
0x68: {  	_ =	shalt  }
0x69: {  	_ =	shalt  }
0x6a: {  	_ =	shalt  }
0x6b: {  	_ =	shalt  }
0x6c: {  	_ =	shalt  }
0x6d: {  	_ =	shalt  }
0x6e: {  	_ =	shalt  }
0x6f: {  	_ =	shalt  }
0x70: {  	_ =	shalt  }
0x71: {  	_ =	shalt  }
0x72: {  	_ =	shalt  }
0x73: {  	_ =	shalt  }
0x74: {  	_ =	shalt  }
0x75: {  	_ =	shalt  }
0x76: {  	_ =	shalt  }
0x77: {  	_ =	shalt  }
0x78: {  	_ =	shalt  }
0x79: {  	_ =	shalt  }
0x7a: {  	_ =	shalt  }
0x7b: {  	_ =	shalt  }
0x7c: {  	_ =	shalt  }
0x7d: {  	_ =	shalt  }
0x7e: {  	_ =	shalt  }
0x7f: {  	_ =	shalt  }
0x80: {  	_ =	shalt  }
0x81: {  	_ =	shalt  }
0x82: {  	_ =	shalt  }
0x83: {  	_ =	shalt  }
0x84: {  	_ =	shalt  }
0x85: {  	_ =	shalt  }
0x86: {  	_ =	shalt  }
0x87: {  	_ =	shalt  }
.Lfunc_end0:
.L_simem_size_0:
called_computation_lowered:
.L_overlay_start_0:
0x88: {  	s2 =	sld [smem:$0x3FD9]  }
0x89: {  	s3 =	sld [smem:$0x3FFE];
	_ =	sdelay $0x1  }
0x8a: {  	s1 =	srdreg.scid  }
0x8b: {  	s0 =	sand.u32 $0x1, s1  }
0x8c: {  	s28 =	sshll.u32 s0, $0xA;
	s2 =	sadd.s32 s3, s2  }
0x8d: {  	s2 =	sadd.s32 s2, s28  }
0x8e: {  	[smem:$0x3FC6] =	sst s2  }
0x8f: {  	s2 =	simm.s32 $0x0  }
0x90: {  	[smem:$0xF] =	sst s2  }
0x91: {  	s4 =	sld [smem:$0x3FC8];
	(tm) =	ssettm $0x1  }
0x92: {  	s29 =	sld [smem:$0x3FFB];
	_ =	sdelay $0x3  }
0x93: {  	_ =	strace s29  }
0x94: {  	s3 =	sld [smem:$0x3FFC];
	_ =	sdelay $0x3  }
0x95: {  	_ =	strace s3  }
0x96: {  	s3 =	sld [smem:$0x3FFD];
	_ =	sdelay $0x3  }
0x97: {  	_ =	strace s3  }
0x98: {  	s30 =	simm.s32 $0x1B8B;
	_ =	strace $0x8FFFFFFF  }
0x99: {  	_ =	swait.ge [sflag:s30], $0x1  }
0x9a: {  	[sflag:s30] =	ssyncset.done $0x0  }
0x9b: {  	s31 =	simm.s32 $0x1B8E;
	s3 =	sshll.u32 s0, $0x6;
	[sflag:s30] =	ssyncadd.s32 $0xFFFFFFFF  }
0x9c: {  	s5 =	simm.s32 $0x10;
	s6 =	sadd.s32 s3, s4;
	[smem:$0x3FD2] =	sst s31  }
0x9d: {  	s4 =	simm.s32 $0x9;
	s7 =	sld [smem:$0x3FFE];
	_ =	strace $0x80000046  }
0x9e: {  	[smem:s5], [sflag:s4] =	dma.local [hbm:s6], $0x40  }
0x9f: {  	s9 =	simm.s32 $0x2210;
	s10 =	simm.s32 $0xA;
	_ =	swait.ge [sflag:s4], $0x40  }
0xa0: {  	s11 =	simm.s32 $0x0;
	s8 =	sshll.u32 s0, $0x9;
	[sflag:s4] =	ssyncset.done $0x0  }
0xa1: {  	s6 =	sadd.s32 $0x800, s7;
	s7 =	sadd.s32 $0xC38800, s7;
	[sflag:s4] =	ssyncadd.s32 $0xFFFFFFC0  }
.LBB1_1:
0xa2: {  	s12 =	sshrl.u32 s8, $0x3;
	s13 =	sld [smem:s5+$0x0]  }
0xa3: {  	s12 =	smul.u32 $0xC3800, s12  }
0xa4: {  	s14 =	sand.u32 $0x380, s2  }
0xa5: {  	s12 =	sor.u32 s14, s12  }
0xa6: {  	s12 =	sshrl.u32 s12, $0x3;
	s15 =	sand.u32 $0xFFFFF80, s13;
	s13 =	sadd.s32 $0x1, s8  }
0xa7: {  	s31 =	sadd.s32 s6, s12;
	s12 =	simm.s32 $0x210;
	s16 =	sshrl.u32 s13, $0x3  }
0xa8: {  	s14 =	sadd.s32 s15, s31;
	s15 =	sadd.s32 $0x1, s5;
	s18 =	smul.u32 $0xC3800, s16  }
0xa9: {  	[smem:s12], [sflag:s10] =	dma.local [hbm:s14], $0x10  }
0xaa: {  	s16 =	simm.s32 $0x100;
	s14 =	simm.s32 $0x80;
	s17 =	sld [smem:s15+$0x0]  }
.LBB1_2:
0xab: {  	p0 =	sne.s32 s16, $0x1F80;
	s19 =	sand.u32 $0x380, s14;
	s14 =	smov.u32 s16  }
0xac: {  	s18 =	sor.u32 s19, s18  }
0xad: {  	s12 =	sadd.s32 $0x80, s12;
	s13 =	sadd.s32 $0x1, s13;
	s18 =	sshrl.u32 s18, $0x3  }
.Ltmp0:
0xae: {  	s18 =	sadd.s32 s6, s18;
	s17 =	sand.u32 $0xFFFFF80, s17;
	(pc) =	sbr.rel @p0 .LBB1_2-.Ltmp0, $3  }
0xaf: {  	s15 =	sadd.s32 $0x1, s15;
	s19 =	sshrl.u32 s13, $0x3;
	s17 =	sadd.s32 s17, s18  }
0xb0: {  	[smem:s12], [sflag:s10] =	dma.local [hbm:s17], $0x10  }
0xb1: {  	s16 =	sadd.s32 $0x80, s16;
	s18 =	smul.u32 $0xC3800, s19;
	s17 =	sld [smem:s15+$0x0]  }
0xb2: {  	s13 =	sand.u32 $0x380, s14  }
0xb3: {  	s13 =	sor.u32 s13, s18  }
0xb4: {  	s13 =	sshrl.u32 s13, $0x3  }
0xb5: {  	s13 =	sadd.s32 s6, s13;
	s29 =	sand.u32 $0xFFFFF80, s17  }
0xb6: {  	s12 =	sadd.s32 $0x80, s12;
	s13 =	sadd.s32 s29, s13  }
0xb7: {  	[smem:s12], [sflag:s10] =	dma.local [hbm:s13], $0x10  }
0xb8: {  	_ =	swait.ge [sflag:s10], $0x400  }
0xb9: {  	[sflag:s10] =	ssyncset.done $0x0  }
0xba: {  	s30 =	simm.s32 $0x0;
	[sflag:s10] =	ssyncadd.s32 $0xFFFFFC00  }
0xbb: {  	s31 =	sld [smem:s5+s30];
	_ =	sdelay $0x3  }
0xbc: {  	s12 =	simm.s32 $0x210;
	s13 =	sand.u32 $0x7F, s31  }
0xbd: {  	s15 =	sld [smem:s12+s13];
	_ =	sdelay $0x2  }
0xbe: {  	s16 =	sadd.s32 $0x0, s9  }
0xbf: {  	s14 =	simm.s32 $0x8;
	s13 =	simm.s32 $0x1;
	[smem:s16] =	sst s15  }
.LBB1_4:
0xc0: {  	p0 =	sne.s32 s14, $0xFC;
	s15 =	sld [smem:s5+s13];
	_ =	sdelay $0x3  }
0xc1: {  	s12 =	sadd.s32 $0x80, s12;
	s15 =	sand.u32 $0x7F, s15  }
0xc2: {  	s15 =	sld [smem:s12+s15]  }
.Ltmp1:
0xc3: {  	(pc) =	sbr.rel @p0 .LBB1_4-.Ltmp1, $3  }
0xc4: {  	_ = 	snop  }
0xc5: {  	s16 =	sadd.s32 s13, s9  }
0xc6: {  	s13 =	sshra.s32 s14, $0x2;
	s14 =	sadd.s32 $0x4, s14;
	[smem:s16] =	sst s15  }
0xc7: {  	s14 =	sld [smem:s5+s13];
	_ =	sdelay $0x3  }
0xc8: {  	s12 =	sadd.s32 $0x80, s12;
	s14 =	sand.u32 $0x7F, s14  }
0xc9: {  	s12 =	sld [smem:s12+s14];
	_ =	sdelay $0x1  }
0xca: {  	s11 =	sadd.s32 $0x1, s11  }
0xcb: {  	s31 =	sadd.s32 s13, s9;
	p0 =	sne.s32 s11, $0x8  }
0xcc: {  	s2 =	sadd.s32 @!p0 s3, s7;
	s3 =	simm.s32 @!p0 $0x2210;
	[smem:s31] =	sst s12  }
0xcd: {  	[hbm:s2], [sflag:s4] =	dma.local @!p0 [smem:s3], $0x40  }
0xce: {  	s2 =	simm.s32 @!p0 $0x9  }
0xcf: {  	_ =	swait.ge @!p0 [sflag:s2], $0x40  }
0xd0: {  	[sflag:s2] =	ssyncset.done @!p0 $0x0  }
0xd1: {  	[sflag:s2] =	ssyncadd.s32 @!p0 $0xFFFFFFC0  }
0xd2: {  	_ =	strace @!p0 $0x90000046  }
0xd3: {  	_ =	sfence @!p0  }
0xd4: {  	s2 =	sld @!p0 [smem:$0x0];
	_ =	sdelay $0x2  }
0xd5: {  	s3 =	sshll.u32 @!p0 s1, $0xD;
	s1 =	sshrl.u32 @!p0 s1, $0x2  }
0xd6: {  	s3 =	sand.u32 @!p0 $0x4000, s3;
	s1 =	sadd.s32 @!p0 s1, s2  }
0xd7: {  	s0 =	sor.u32 @!p0 s3, s0;
	s1 =	sshll.u32 @!p0 s1, $0x11  }
0xd8: {  	s0 =	sor.u32 @!p0 s1, s0  }
0xd9: {  	s0 =	sadd.s32 @!p0 $0x8F2B, s0;
	(pc) =	sbr.abs @!p0 _section_cstart, $3  }
0xda: {  	[sflag:s0] =	ssyncadd.remote.s32 @!p0 $0x1  }
0xdb: {  	s8 =	sadd.s32 $0x40, s8;
	_ =	strace @!p0 $0x9FFFFFFF  }
0xdc: {  	s5 =	sadd.s32 $0x40, s5;
	s9 =	sadd.s32 $0x40, s9;
	(tm) =	ssettm @!p0 $0x7FFFFFFF  }
.Ltmp2:
0xdd: {  	_ = 	snop;
	(pc) =	sbr.rel .LBB1_1-.Ltmp2, $1  }
0xde: {  	_ =	sdelay $0x2  }
0xdf: {  	_ =	shalt  }

</sc_bundles>
